<compile_context>
chip_gen: v7x
topology: tpu7x:2x2x1
jax: 0.10.2.dev20260603
libtpu: 0.0.44.dev20260713+nightly
codegen_flags: <defaults>
</compile_context>

<pallas_src>
import functools

import jax
import jax.numpy as jnp
from jax import lax
from jax.experimental import pallas as pl
from jax.experimental.pallas import tpu as pltpu
from jax.experimental.pallas import tpu_sc as plsc

VOCAB = 100000
HID = 128
SEQ = 200
BATCH = 1024

NC, NS = 2, 16
NW = NC * NS
ROWS = SEQ * BATCH
RPW = ROWS // NW
CHUNK = 128
NCHUNK = RPW // CHUNK

_mesh = plsc.VectorSubcoreMesh(
    core_axis_name="c", subcore_axis_name="s", num_cores=NC, num_subcores=NS
)


NBUF = 5
D = 3


@functools.partial(
    pl.kernel,
    out_type=jax.ShapeDtypeStruct((ROWS, HID), jnp.float32),
    mesh=_mesh,
    scratch_types=[
        pltpu.VMEM((RPW,), jnp.int32),
        [pltpu.VMEM((CHUNK, HID), jnp.float32) for _ in range(NBUF)],
        [pltpu.SemaphoreType.DMA for _ in range(NBUF)],
        [pltpu.SemaphoreType.DMA for _ in range(NBUF)],
    ],
)
def _gather_kernel(idx_hbm, table_hbm, out_hbm, idx_v, rows, gsem, wsem):
    wid = lax.axis_index("s") * NC + lax.axis_index("c")
    base = wid * RPW
    pltpu.sync_copy(idx_hbm.at[pl.ds(base, RPW)], idx_v)

    for k in range(D):
        pltpu.async_copy(
            table_hbm.at[idx_v.at[pl.ds(k * CHUNK, CHUNK)]], rows[k % NBUF], gsem[k % NBUF]
        )

    def body(i, carry):
        for b in range(NBUF):
            j = i * NBUF + b
            dst = out_hbm.at[pl.ds(base + j * CHUNK, CHUNK)]
            pltpu.make_async_copy(
                table_hbm.at[idx_v.at[pl.ds(j * CHUNK, CHUNK)]], rows[b], gsem[b]
            ).wait()
            pltpu.async_copy(rows[b], dst, wsem[b])

            br = (b + D) % NBUF

            @pl.when((j + D < NCHUNK) & (j >= NBUF - D))
            def _():
                pltpu.make_async_copy(rows[br], dst, wsem[br]).wait()

            @pl.when(j + D < NCHUNK)
            def _():
                pltpu.async_copy(
                    table_hbm.at[idx_v.at[pl.ds((j + D) * CHUNK, CHUNK)]], rows[br], gsem[br]
                )

        return carry

    lax.fori_loop(0, NCHUNK // NBUF, body, 0)

    for b in range(NBUF):
        j = NCHUNK - NBUF + b
        dst = out_hbm.at[pl.ds(base + j * CHUNK, CHUNK)]
        pltpu.make_async_copy(rows[b], dst, wsem[b]).wait()


def kernel(src, src_len, src_mask, table):
    idx = jnp.transpose(src).reshape(ROWS)
    out = _gather_kernel(idx, table)
    return out.reshape(BATCH, SEQ, HID)

# --- scband reference (transcript-rebuilt; emitter-appended) ---
"""Pipeline reference for scband-nbow-38680475468249 (READ-ONLY COPY).

The authoritative reference and input builder live on the scoring server;
editing this copy changes nothing except your own understanding.
"""

import jax, jax.numpy as jnp
import numpy as np

VOCAB = 100000
HID = 128
SEQ = 200
BATCH = 1024
PAD_IDX = 0


def setup_inputs(seed: int = 0) -> dict:
    key = jax.random.key(seed)
    k1, k2, k3 = jax.random.split(key, 3)
    src = jax.random.randint(k1, (SEQ, BATCH), 0, VOCAB, dtype=jnp.int32)
    src_len = jax.random.randint(k2, (BATCH,), 1, SEQ + 1, dtype=jnp.int32)
    src_mask = jnp.ones((SEQ, BATCH), dtype=bool)
    # Embedding table, xavier_uniform init (per initialize_nbow), pad row zeroed
    limit = float(np.sqrt(6.0 / (VOCAB + HID)))
    table = jax.random.uniform(k3, (VOCAB, HID), minval=-limit, maxval=limit, dtype=jnp.float32)
    table = table.at[PAD_IDX].set(0.0)
    return {"src": src, "src_len": src_len, "src_mask": src_mask, "table": table}


def reference(src, src_len, src_mask, table):
    # src: [seq, batch] -> permute(1, 0) -> [batch, seq]
    src_bt = jnp.transpose(src, (1, 0))
    # src_mask permuted in torch code but unused for the returned value
    _ = jnp.transpose(src_mask, (1, 0))
    # embedding lookup: [batch, seq, hid]; dropout is identity in eval mode
    emb = jnp.take(table, src_bt, axis=0)
    return emb

if __name__ == "__main__":
    import jax
    _d = setup_inputs()
    print(jax.jit(kernel)(*tuple(_d.values())))

</pallas_src>

<mosaic_0001>
#map = affine_map<(d0, d1) -> (0)>
#map1 = affine_map<(d0, d1) -> (0, 0)>
module attributes {stable_mosaic.version = 14 : i64} {
  func.func @_gather_kernel(%arg0: i32, %arg1: i32, %arg2: memref<204800xi32, #tpu.memory_space<hbm>>, %arg3: memref<100000x128xf32, #tpu.memory_space<hbm>>, %arg4: memref<204800x128xf32, #tpu.memory_space<hbm>>, %arg5: memref<6400xi32, #tpu.memory_space<vmem>>, %arg6: memref<128x128xf32, #tpu.memory_space<vmem>>, %arg7: memref<128x128xf32, #tpu.memory_space<vmem>>, %arg8: memref<128x128xf32, #tpu.memory_space<vmem>>, %arg9: memref<128x128xf32, #tpu.memory_space<vmem>>, %arg10: memref<128x128xf32, #tpu.memory_space<vmem>>, %arg11: memref<!tpu.dma_semaphore, #tpu.memory_space<semaphore_mem>>, %arg12: memref<!tpu.dma_semaphore, #tpu.memory_space<semaphore_mem>>, %arg13: memref<!tpu.dma_semaphore, #tpu.memory_space<semaphore_mem>>, %arg14: memref<!tpu.dma_semaphore, #tpu.memory_space<semaphore_mem>>, %arg15: memref<!tpu.dma_semaphore, #tpu.memory_space<semaphore_mem>>, %arg16: memref<!tpu.dma_semaphore, #tpu.memory_space<semaphore_mem>>, %arg17: memref<!tpu.dma_semaphore, #tpu.memory_space<semaphore_mem>>, %arg18: memref<!tpu.dma_semaphore, #tpu.memory_space<semaphore_mem>>, %arg19: memref<!tpu.dma_semaphore, #tpu.memory_space<semaphore_mem>>, %arg20: memref<!tpu.dma_semaphore, #tpu.memory_space<semaphore_mem>>) attributes {dimension_semantics = [#tpu.dimension_semantics<core_parallel>, #tpu.dimension_semantics<subcore_parallel>], iteration_bounds = array<i64: 2, 16>, scalar_prefetch = 0 : i64, scratch_operands = 16 : i64, tpu.core_type = #tpu.core_type<sc_vector_subcore>, window_params = [{transform_indices = #map}, {transform_indices = #map1}, {transform_indices = #map1}]} {
    %mul3A = arith.constant 2 : i32
    %mul3A_0 = arith.muli %arg1, %mul3A : i32
    %add3A = arith.addi %mul3A_0, %arg0 : i32
    %mul3A_1 = arith.constant 6400 : i32
    %mul3A_2 = arith.muli %add3A, %mul3A_1 : i32
    "tpu.region"() ({
      %run_scoped3A = tpu.sem_alloc : memref<!tpu.dma_semaphore, #tpu.memory_space<semaphore_mem>>
      %dma_start3A_51 = tpu.memref_slice %arg2[%mul3A_2] : memref<204800xi32, #tpu.memory_space<hbm>> -> memref<6400xi32, #tpu.memory_space<hbm>>
      %dma_start3A_52 = tpu.memref_slice %arg2[%mul3A_2] : memref<204800xi32, #tpu.memory_space<hbm>> -> memref<6400xi32, #tpu.memory_space<hbm>>
      tpu.enqueue_dma source(%dma_start3A_52 : memref<6400xi32, #tpu.memory_space<hbm>>) target(%arg5 : memref<6400xi32, #tpu.memory_space<vmem>>) target_semaphore(%run_scoped3A : memref<!tpu.dma_semaphore, #tpu.memory_space<semaphore_mem>>)
      %dma_wait3A_53 = tpu.memref_slice %arg2[%mul3A_2] : memref<204800xi32, #tpu.memory_space<hbm>> -> memref<6400xi32, #tpu.memory_space<hbm>>
      %dma_wait3A_54 = tpu.memref_slice %arg2[%mul3A_2] : memref<204800xi32, #tpu.memory_space<hbm>> -> memref<6400xi32, #tpu.memory_space<hbm>>
      tpu.wait_dma2 semaphore(%run_scoped3A : memref<!tpu.dma_semaphore, #tpu.memory_space<semaphore_mem>>) src(%dma_wait3A_54 : memref<6400xi32, #tpu.memory_space<hbm>>) dst(%arg5 : memref<6400xi32, #tpu.memory_space<vmem>>)
      tpu.yield
    }) : () -> ()
    %dma_start3A = arith.constant 0 : i32
    %dma_start3A_3 = tpu.memref_slice %arg5[%dma_start3A] : memref<6400xi32, #tpu.memory_space<vmem>> -> memref<128xi32, #tpu.memory_space<vmem>>
    %dma_start3A_4 = arith.constant 0 : i32
    %dma_start3A_5 = arith.constant 0 : i32
    %dma_start3A_6 = tpu.memref_slice %arg3[%dma_start3A_4, %dma_start3A_5] : memref<100000x128xf32, #tpu.memory_space<hbm>> -> memref<100000x128xf32, #tpu.memory_space<hbm>>
    tpu.enqueue_indirect_dma source(%dma_start3A_6 : memref<100000x128xf32, #tpu.memory_space<hbm>>) target(%arg6 : memref<128x128xf32, #tpu.memory_space<vmem>>) offsets(%dma_start3A_3 : memref<128xi32, #tpu.memory_space<vmem>>) semaphore(%arg11 : memref<!tpu.dma_semaphore, #tpu.memory_space<semaphore_mem>>)
    %dma_start3A_7 = arith.constant 128 : i32
    %dma_start3A_8 = tpu.memref_slice %arg5[%dma_start3A_7] : memref<6400xi32, #tpu.memory_space<vmem>> -> memref<128xi32, #tpu.memory_space<vmem>>
    %dma_start3A_9 = arith.constant 0 : i32
    %dma_start3A_10 = arith.constant 0 : i32
    %dma_start3A_11 = tpu.memref_slice %arg3[%dma_start3A_9, %dma_start3A_10] : memref<100000x128xf32, #tpu.memory_space<hbm>> -> memref<100000x128xf32, #tpu.memory_space<hbm>>
    tpu.enqueue_indirect_dma source(%dma_start3A_11 : memref<100000x128xf32, #tpu.memory_space<hbm>>) target(%arg7 : memref<128x128xf32, #tpu.memory_space<vmem>>) offsets(%dma_start3A_8 : memref<128xi32, #tpu.memory_space<vmem>>) semaphore(%arg12 : memref<!tpu.dma_semaphore, #tpu.memory_space<semaphore_mem>>)
    %dma_start3A_12 = arith.constant 256 : i32
    %dma_start3A_13 = tpu.memref_slice %arg5[%dma_start3A_12] : memref<6400xi32, #tpu.memory_space<vmem>> -> memref<128xi32, #tpu.memory_space<vmem>>
    %dma_start3A_14 = arith.constant 0 : i32
    %dma_start3A_15 = arith.constant 0 : i32
    %dma_start3A_16 = tpu.memref_slice %arg3[%dma_start3A_14, %dma_start3A_15] : memref<100000x128xf32, #tpu.memory_space<hbm>> -> memref<100000x128xf32, #tpu.memory_space<hbm>>
    tpu.enqueue_indirect_dma source(%dma_start3A_16 : memref<100000x128xf32, #tpu.memory_space<hbm>>) target(%arg8 : memref<128x128xf32, #tpu.memory_space<vmem>>) offsets(%dma_start3A_13 : memref<128xi32, #tpu.memory_space<vmem>>) semaphore(%arg13 : memref<!tpu.dma_semaphore, #tpu.memory_space<semaphore_mem>>)
    %scan3A = arith.constant 0 : i32
    %scan3A_17 = arith.constant 0 : i32
    %scan3A_18 = arith.constant 10 : i32
    %scan3A_19 = arith.addi %scan3A_17, %scan3A_18 : i32
    %scan3A_20 = arith.constant 1 : i32
    scf.for %scan3A_51 = %scan3A_17 to %scan3A_19 step %scan3A_20  : i32 {
      %mul3A_52 = arith.constant 5 : i32
      %mul3A_53 = arith.muli %scan3A_51, %mul3A_52 : i32
      %add3A_54 = arith.constant 0 : i32
      %add3A_55 = arith.addi %mul3A_53, %add3A_54 : i32
      %mul3A_56 = arith.constant 128 : i32
      %mul3A_57 = arith.muli %add3A_55, %mul3A_56 : i32
      %add3A_58 = arith.addi %mul3A_2, %mul3A_57 : i32
      %mul3A_59 = arith.constant 128 : i32
      %mul3A_60 = arith.muli %add3A_55, %mul3A_59 : i32
      %dma_wait3A_61 = tpu.memref_slice %arg5[%mul3A_60] : memref<6400xi32, #tpu.memory_space<vmem>> -> memref<128xi32, #tpu.memory_space<vmem>>
      %dma_wait3A_62 = arith.constant 0 : i32
      %dma_wait3A_63 = arith.constant 0 : i32
      %dma_wait3A_64 = tpu.memref_slice %arg3[%dma_wait3A_62, %dma_wait3A_63] : memref<100000x128xf32, #tpu.memory_space<hbm>> -> memref<100000x128xf32, #tpu.memory_space<hbm>>
      tpu.wait_indirect_dma semaphore(%arg11 : memref<!tpu.dma_semaphore, #tpu.memory_space<semaphore_mem>>) src(%dma_wait3A_64 : memref<100000x128xf32, #tpu.memory_space<hbm>>) dst(%arg6 : memref<128x128xf32, #tpu.memory_space<vmem>>)
      %dma_start3A_65 = arith.constant 0 : i32
      %dma_start3A_66 = tpu.memref_slice %arg4[%add3A_58, %dma_start3A_65] : memref<204800x128xf32, #tpu.memory_space<hbm>> -> memref<128x128xf32, #tpu.memory_space<hbm>>
      %dma_start3A_67 = arith.constant 0 : i32
      %dma_start3A_68 = tpu.memref_slice %arg4[%add3A_58, %dma_start3A_67] : memref<204800x128xf32, #tpu.memory_space<hbm>> -> memref<128x128xf32, #tpu.memory_space<hbm>>
      tpu.enqueue_dma source(%arg6 : memref<128x128xf32, #tpu.memory_space<vmem>>) target(%dma_start3A_68 : memref<128x128xf32, #tpu.memory_space<hbm>>) target_semaphore(%arg16 : memref<!tpu.dma_semaphore, #tpu.memory_space<semaphore_mem>>)
      %add3A_69 = arith.constant 3 : i32
      %add3A_70 = arith.addi %add3A_55, %add3A_69 : i32
      %lt3A = arith.constant 50 : i32
      %lt3A_71 = arith.cmpi slt, %add3A_70, %lt3A : i32
      %ge3A = arith.constant 2 : i32
      %ge3A_72 = arith.cmpi sge, %add3A_55, %ge3A : i32
      %and3A = arith.andi %lt3A_71, %ge3A_72 : i1
      %convert_element_type3A = arith.extui %and3A : i1 to i32
      %cond3A = arith.constant 0 : i32
      %cond3A_73 = arith.cmpi ne, %convert_element_type3A, %cond3A : i32
      scf.if %cond3A_73 {
        %dma_wait3A_217 = arith.constant 0 : i32
        %dma_wait3A_218 = tpu.memref_slice %arg4[%add3A_58, %dma_wait3A_217] : memref<204800x128xf32, #tpu.memory_space<hbm>> -> memref<128x128xf32, #tpu.memory_space<hbm>>
        %dma_wait3A_219 = arith.constant 0 : i32
        %dma_wait3A_220 = tpu.memref_slice %arg4[%add3A_58, %dma_wait3A_219] : memref<204800x128xf32, #tpu.memory_space<hbm>> -> memref<128x128xf32, #tpu.memory_space<hbm>>
        tpu.wait_dma2 semaphore(%arg19 : memref<!tpu.dma_semaphore, #tpu.memory_space<semaphore_mem>>) src(%arg9 : memref<128x128xf32, #tpu.memory_space<vmem>>) dst(%dma_wait3A_220 : memref<128x128xf32, #tpu.memory_space<hbm>>)
      } else {
      }
      %add3A_74 = arith.constant 3 : i32
      %add3A_75 = arith.addi %add3A_55, %add3A_74 : i32
      %lt3A_76 = arith.constant 50 : i32
      %lt3A_77 = arith.cmpi slt, %add3A_75, %lt3A_76 : i32
      %convert_element_type3A_78 = arith.extui %lt3A_77 : i1 to i32
      %cond3A_79 = arith.constant 0 : i32
      %cond3A_80 = arith.cmpi ne, %convert_element_type3A_78, %cond3A_79 : i32
      scf.if %cond3A_80 {
        %add3A_217 = arith.constant 3 : i32
        %add3A_218 = arith.addi %add3A_55, %add3A_217 : i32
        %mul3A_219 = arith.constant 128 : i32
        %mul3A_220 = arith.muli %add3A_218, %mul3A_219 : i32
        %dma_start3A_221 = tpu.memref_slice %arg5[%mul3A_220] : memref<6400xi32, #tpu.memory_space<vmem>> -> memref<128xi32, #tpu.memory_space<vmem>>
        %dma_start3A_222 = arith.constant 0 : i32
        %dma_start3A_223 = arith.constant 0 : i32
        %dma_start3A_224 = tpu.memref_slice %arg3[%dma_start3A_222, %dma_start3A_223] : memref<100000x128xf32, #tpu.memory_space<hbm>> -> memref<100000x128xf32, #tpu.memory_space<hbm>>
        tpu.enqueue_indirect_dma source(%dma_start3A_224 : memref<100000x128xf32, #tpu.memory_space<hbm>>) target(%arg9 : memref<128x128xf32, #tpu.memory_space<vmem>>) offsets(%dma_start3A_221 : memref<128xi32, #tpu.memory_space<vmem>>) semaphore(%arg14 : memref<!tpu.dma_semaphore, #tpu.memory_space<semaphore_mem>>)
      } else {
      }
      %mul3A_81 = arith.constant 5 : i32
      %mul3A_82 = arith.muli %scan3A_51, %mul3A_81 : i32
      %add3A_83 = arith.constant 1 : i32
      %add3A_84 = arith.addi %mul3A_82, %add3A_83 : i32
      %mul3A_85 = arith.constant 128 : i32
      %mul3A_86 = arith.muli %add3A_84, %mul3A_85 : i32
      %add3A_87 = arith.addi %mul3A_2, %mul3A_86 : i32
      %mul3A_88 = arith.constant 128 : i32
      %mul3A_89 = arith.muli %add3A_84, %mul3A_88 : i32
      %dma_wait3A_90 = tpu.memref_slice %arg5[%mul3A_89] : memref<6400xi32, #tpu.memory_space<vmem>> -> memref<128xi32, #tpu.memory_space<vmem>>
      %dma_wait3A_91 = arith.constant 0 : i32
      %dma_wait3A_92 = arith.constant 0 : i32
      %dma_wait3A_93 = tpu.memref_slice %arg3[%dma_wait3A_91, %dma_wait3A_92] : memref<100000x128xf32, #tpu.memory_space<hbm>> -> memref<100000x128xf32, #tpu.memory_space<hbm>>
      tpu.wait_indirect_dma semaphore(%arg12 : memref<!tpu.dma_semaphore, #tpu.memory_space<semaphore_mem>>) src(%dma_wait3A_93 : memref<100000x128xf32, #tpu.memory_space<hbm>>) dst(%arg7 : memref<128x128xf32, #tpu.memory_space<vmem>>)
      %dma_start3A_94 = arith.constant 0 : i32
      %dma_start3A_95 = tpu.memref_slice %arg4[%add3A_87, %dma_start3A_94] : memref<204800x128xf32, #tpu.memory_space<hbm>> -> memref<128x128xf32, #tpu.memory_space<hbm>>
      %dma_start3A_96 = arith.constant 0 : i32
      %dma_start3A_97 = tpu.memref_slice %arg4[%add3A_87, %dma_start3A_96] : memref<204800x128xf32, #tpu.memory_space<hbm>> -> memref<128x128xf32, #tpu.memory_space<hbm>>
      tpu.enqueue_dma source(%arg7 : memref<128x128xf32, #tpu.memory_space<vmem>>) target(%dma_start3A_97 : memref<128x128xf32, #tpu.memory_space<hbm>>) target_semaphore(%arg17 : memref<!tpu.dma_semaphore, #tpu.memory_space<semaphore_mem>>)
      %add3A_98 = arith.constant 3 : i32
      %add3A_99 = arith.addi %add3A_84, %add3A_98 : i32
      %lt3A_100 = arith.constant 50 : i32
      %lt3A_101 = arith.cmpi slt, %add3A_99, %lt3A_100 : i32
      %ge3A_102 = arith.constant 2 : i32
      %ge3A_103 = arith.cmpi sge, %add3A_84, %ge3A_102 : i32
      %and3A_104 = arith.andi %lt3A_101, %ge3A_103 : i1
      %convert_element_type3A_105 = arith.extui %and3A_104 : i1 to i32
      %cond3A_106 = arith.constant 0 : i32
      %cond3A_107 = arith.cmpi ne, %convert_element_type3A_105, %cond3A_106 : i32
      scf.if %cond3A_107 {
        %dma_wait3A_217 = arith.constant 0 : i32
        %dma_wait3A_218 = tpu.memref_slice %arg4[%add3A_87, %dma_wait3A_217] : memref<204800x128xf32, #tpu.memory_space<hbm>> -> memref<128x128xf32, #tpu.memory_space<hbm>>
        %dma_wait3A_219 = arith.constant 0 : i32
        %dma_wait3A_220 = tpu.memref_slice %arg4[%add3A_87, %dma_wait3A_219] : memref<204800x128xf32, #tpu.memory_space<hbm>> -> memref<128x128xf32, #tpu.memory_space<hbm>>
        tpu.wait_dma2 semaphore(%arg20 : memref<!tpu.dma_semaphore, #tpu.memory_space<semaphore_mem>>) src(%arg10 : memref<128x128xf32, #tpu.memory_space<vmem>>) dst(%dma_wait3A_220 : memref<128x128xf32, #tpu.memory_space<hbm>>)
      } else {
      }
      %add3A_108 = arith.constant 3 : i32
      %add3A_109 = arith.addi %add3A_84, %add3A_108 : i32
      %lt3A_110 = arith.constant 50 : i32
      %lt3A_111 = arith.cmpi slt, %add3A_109, %lt3A_110 : i32
      %convert_element_type3A_112 = arith.extui %lt3A_111 : i1 to i32
      %cond3A_113 = arith.constant 0 : i32
      %cond3A_114 = arith.cmpi ne, %convert_element_type3A_112, %cond3A_113 : i32
      scf.if %cond3A_114 {
        %add3A_217 = arith.constant 3 : i32
        %add3A_218 = arith.addi %add3A_84, %add3A_217 : i32
        %mul3A_219 = arith.constant 128 : i32
        %mul3A_220 = arith.muli %add3A_218, %mul3A_219 : i32
        %dma_start3A_221 = tpu.memref_slice %arg5[%mul3A_220] : memref<6400xi32, #tpu.memory_space<vmem>> -> memref<128xi32, #tpu.memory_space<vmem>>
        %dma_start3A_222 = arith.constant 0 : i32
        %dma_start3A_223 = arith.constant 0 : i32
        %dma_start3A_224 = tpu.memref_slice %arg3[%dma_start3A_222, %dma_start3A_223] : memref<100000x128xf32, #tpu.memory_space<hbm>> -> memref<100000x128xf32, #tpu.memory_space<hbm>>
        tpu.enqueue_indirect_dma source(%dma_start3A_224 : memref<100000x128xf32, #tpu.memory_space<hbm>>) target(%arg10 : memref<128x128xf32, #tpu.memory_space<vmem>>) offsets(%dma_start3A_221 : memref<128xi32, #tpu.memory_space<vmem>>) semaphore(%arg15 : memref<!tpu.dma_semaphore, #tpu.memory_space<semaphore_mem>>)
      } else {
      }
      %mul3A_115 = arith.constant 5 : i32
      %mul3A_116 = arith.muli %scan3A_51, %mul3A_115 : i32
      %add3A_117 = arith.constant 2 : i32
      %add3A_118 = arith.addi %mul3A_116, %add3A_117 : i32
      %mul3A_119 = arith.constant 128 : i32
      %mul3A_120 = arith.muli %add3A_118, %mul3A_119 : i32
      %add3A_121 = arith.addi %mul3A_2, %mul3A_120 : i32
      %mul3A_122 = arith.constant 128 : i32
      %mul3A_123 = arith.muli %add3A_118, %mul3A_122 : i32
      %dma_wait3A_124 = tpu.memref_slice %arg5[%mul3A_123] : memref<6400xi32, #tpu.memory_space<vmem>> -> memref<128xi32, #tpu.memory_space<vmem>>
      %dma_wait3A_125 = arith.constant 0 : i32
      %dma_wait3A_126 = arith.constant 0 : i32
      %dma_wait3A_127 = tpu.memref_slice %arg3[%dma_wait3A_125, %dma_wait3A_126] : memref<100000x128xf32, #tpu.memory_space<hbm>> -> memref<100000x128xf32, #tpu.memory_space<hbm>>
      tpu.wait_indirect_dma semaphore(%arg13 : memref<!tpu.dma_semaphore, #tpu.memory_space<semaphore_mem>>) src(%dma_wait3A_127 : memref<100000x128xf32, #tpu.memory_space<hbm>>) dst(%arg8 : memref<128x128xf32, #tpu.memory_space<vmem>>)
      %dma_start3A_128 = arith.constant 0 : i32
      %dma_start3A_129 = tpu.memref_slice %arg4[%add3A_121, %dma_start3A_128] : memref<204800x128xf32, #tpu.memory_space<hbm>> -> memref<128x128xf32, #tpu.memory_space<hbm>>
      %dma_start3A_130 = arith.constant 0 : i32
      %dma_start3A_131 = tpu.memref_slice %arg4[%add3A_121, %dma_start3A_130] : memref<204800x128xf32, #tpu.memory_space<hbm>> -> memref<128x128xf32, #tpu.memory_space<hbm>>
      tpu.enqueue_dma source(%arg8 : memref<128x128xf32, #tpu.memory_space<vmem>>) target(%dma_start3A_131 : memref<128x128xf32, #tpu.memory_space<hbm>>) target_semaphore(%arg18 : memref<!tpu.dma_semaphore, #tpu.memory_space<semaphore_mem>>)
      %add3A_132 = arith.constant 3 : i32
      %add3A_133 = arith.addi %add3A_118, %add3A_132 : i32
      %lt3A_134 = arith.constant 50 : i32
      %lt3A_135 = arith.cmpi slt, %add3A_133, %lt3A_134 : i32
      %ge3A_136 = arith.constant 2 : i32
      %ge3A_137 = arith.cmpi sge, %add3A_118, %ge3A_136 : i32
      %and3A_138 = arith.andi %lt3A_135, %ge3A_137 : i1
      %convert_element_type3A_139 = arith.extui %and3A_138 : i1 to i32
      %cond3A_140 = arith.constant 0 : i32
      %cond3A_141 = arith.cmpi ne, %convert_element_type3A_139, %cond3A_140 : i32
      scf.if %cond3A_141 {
        %dma_wait3A_217 = arith.constant 0 : i32
        %dma_wait3A_218 = tpu.memref_slice %arg4[%add3A_121, %dma_wait3A_217] : memref<204800x128xf32, #tpu.memory_space<hbm>> -> memref<128x128xf32, #tpu.memory_space<hbm>>
        %dma_wait3A_219 = arith.constant 0 : i32
        %dma_wait3A_220 = tpu.memref_slice %arg4[%add3A_121, %dma_wait3A_219] : memref<204800x128xf32, #tpu.memory_space<hbm>> -> memref<128x128xf32, #tpu.memory_space<hbm>>
        tpu.wait_dma2 semaphore(%arg16 : memref<!tpu.dma_semaphore, #tpu.memory_space<semaphore_mem>>) src(%arg6 : memref<128x128xf32, #tpu.memory_space<vmem>>) dst(%dma_wait3A_220 : memref<128x128xf32, #tpu.memory_space<hbm>>)
      } else {
      }
      %add3A_142 = arith.constant 3 : i32
      %add3A_143 = arith.addi %add3A_118, %add3A_142 : i32
      %lt3A_144 = arith.constant 50 : i32
      %lt3A_145 = arith.cmpi slt, %add3A_143, %lt3A_144 : i32
      %convert_element_type3A_146 = arith.extui %lt3A_145 : i1 to i32
      %cond3A_147 = arith.constant 0 : i32
      %cond3A_148 = arith.cmpi ne, %convert_element_type3A_146, %cond3A_147 : i32
      scf.if %cond3A_148 {
        %add3A_217 = arith.constant 3 : i32
        %add3A_218 = arith.addi %add3A_118, %add3A_217 : i32
        %mul3A_219 = arith.constant 128 : i32
        %mul3A_220 = arith.muli %add3A_218, %mul3A_219 : i32
        %dma_start3A_221 = tpu.memref_slice %arg5[%mul3A_220] : memref<6400xi32, #tpu.memory_space<vmem>> -> memref<128xi32, #tpu.memory_space<vmem>>
        %dma_start3A_222 = arith.constant 0 : i32
        %dma_start3A_223 = arith.constant 0 : i32
        %dma_start3A_224 = tpu.memref_slice %arg3[%dma_start3A_222, %dma_start3A_223] : memref<100000x128xf32, #tpu.memory_space<hbm>> -> memref<100000x128xf32, #tpu.memory_space<hbm>>
        tpu.enqueue_indirect_dma source(%dma_start3A_224 : memref<100000x128xf32, #tpu.memory_space<hbm>>) target(%arg6 : memref<128x128xf32, #tpu.memory_space<vmem>>) offsets(%dma_start3A_221 : memref<128xi32, #tpu.memory_space<vmem>>) semaphore(%arg11 : memref<!tpu.dma_semaphore, #tpu.memory_space<semaphore_mem>>)
      } else {
      }
      %mul3A_149 = arith.constant 5 : i32
      %mul3A_150 = arith.muli %scan3A_51, %mul3A_149 : i32
      %add3A_151 = arith.constant 3 : i32
      %add3A_152 = arith.addi %mul3A_150, %add3A_151 : i32
      %mul3A_153 = arith.constant 128 : i32
      %mul3A_154 = arith.muli %add3A_152, %mul3A_153 : i32
      %add3A_155 = arith.addi %mul3A_2, %mul3A_154 : i32
      %mul3A_156 = arith.constant 128 : i32
      %mul3A_157 = arith.muli %add3A_152, %mul3A_156 : i32
      %dma_wait3A_158 = tpu.memref_slice %arg5[%mul3A_157] : memref<6400xi32, #tpu.memory_space<vmem>> -> memref<128xi32, #tpu.memory_space<vmem>>
      %dma_wait3A_159 = arith.constant 0 : i32
      %dma_wait3A_160 = arith.constant 0 : i32
      %dma_wait3A_161 = tpu.memref_slice %arg3[%dma_wait3A_159, %dma_wait3A_160] : memref<100000x128xf32, #tpu.memory_space<hbm>> -> memref<100000x128xf32, #tpu.memory_space<hbm>>
      tpu.wait_indirect_dma semaphore(%arg14 : memref<!tpu.dma_semaphore, #tpu.memory_space<semaphore_mem>>) src(%dma_wait3A_161 : memref<100000x128xf32, #tpu.memory_space<hbm>>) dst(%arg9 : memref<128x128xf32, #tpu.memory_space<vmem>>)
      %dma_start3A_162 = arith.constant 0 : i32
      %dma_start3A_163 = tpu.memref_slice %arg4[%add3A_155, %dma_start3A_162] : memref<204800x128xf32, #tpu.memory_space<hbm>> -> memref<128x128xf32, #tpu.memory_space<hbm>>
      %dma_start3A_164 = arith.constant 0 : i32
      %dma_start3A_165 = tpu.memref_slice %arg4[%add3A_155, %dma_start3A_164] : memref<204800x128xf32, #tpu.memory_space<hbm>> -> memref<128x128xf32, #tpu.memory_space<hbm>>
      tpu.enqueue_dma source(%arg9 : memref<128x128xf32, #tpu.memory_space<vmem>>) target(%dma_start3A_165 : memref<128x128xf32, #tpu.memory_space<hbm>>) target_semaphore(%arg19 : memref<!tpu.dma_semaphore, #tpu.memory_space<semaphore_mem>>)
      %add3A_166 = arith.constant 3 : i32
      %add3A_167 = arith.addi %add3A_152, %add3A_166 : i32
      %lt3A_168 = arith.constant 50 : i32
      %lt3A_169 = arith.cmpi slt, %add3A_167, %lt3A_168 : i32
      %ge3A_170 = arith.constant 2 : i32
      %ge3A_171 = arith.cmpi sge, %add3A_152, %ge3A_170 : i32
      %and3A_172 = arith.andi %lt3A_169, %ge3A_171 : i1
      %convert_element_type3A_173 = arith.extui %and3A_172 : i1 to i32
      %cond3A_174 = arith.constant 0 : i32
      %cond3A_175 = arith.cmpi ne, %convert_element_type3A_173, %cond3A_174 : i32
      scf.if %cond3A_175 {
        %dma_wait3A_217 = arith.constant 0 : i32
        %dma_wait3A_218 = tpu.memref_slice %arg4[%add3A_155, %dma_wait3A_217] : memref<204800x128xf32, #tpu.memory_space<hbm>> -> memref<128x128xf32, #tpu.memory_space<hbm>>
        %dma_wait3A_219 = arith.constant 0 : i32
        %dma_wait3A_220 = tpu.memref_slice %arg4[%add3A_155, %dma_wait3A_219] : memref<204800x128xf32, #tpu.memory_space<hbm>> -> memref<128x128xf32, #tpu.memory_space<hbm>>
        tpu.wait_dma2 semaphore(%arg17 : memref<!tpu.dma_semaphore, #tpu.memory_space<semaphore_mem>>) src(%arg7 : memref<128x128xf32, #tpu.memory_space<vmem>>) dst(%dma_wait3A_220 : memref<128x128xf32, #tpu.memory_space<hbm>>)
      } else {
      }
      %add3A_176 = arith.constant 3 : i32
      %add3A_177 = arith.addi %add3A_152, %add3A_176 : i32
      %lt3A_178 = arith.constant 50 : i32
      %lt3A_179 = arith.cmpi slt, %add3A_177, %lt3A_178 : i32
      %convert_element_type3A_180 = arith.extui %lt3A_179 : i1 to i32
      %cond3A_181 = arith.constant 0 : i32
      %cond3A_182 = arith.cmpi ne, %convert_element_type3A_180, %cond3A_181 : i32
      scf.if %cond3A_182 {
        %add3A_217 = arith.constant 3 : i32
        %add3A_218 = arith.addi %add3A_152, %add3A_217 : i32
        %mul3A_219 = arith.constant 128 : i32
        %mul3A_220 = arith.muli %add3A_218, %mul3A_219 : i32
        %dma_start3A_221 = tpu.memref_slice %arg5[%mul3A_220] : memref<6400xi32, #tpu.memory_space<vmem>> -> memref<128xi32, #tpu.memory_space<vmem>>
        %dma_start3A_222 = arith.constant 0 : i32
        %dma_start3A_223 = arith.constant 0 : i32
        %dma_start3A_224 = tpu.memref_slice %arg3[%dma_start3A_222, %dma_start3A_223] : memref<100000x128xf32, #tpu.memory_space<hbm>> -> memref<100000x128xf32, #tpu.memory_space<hbm>>
        tpu.enqueue_indirect_dma source(%dma_start3A_224 : memref<100000x128xf32, #tpu.memory_space<hbm>>) target(%arg7 : memref<128x128xf32, #tpu.memory_space<vmem>>) offsets(%dma_start3A_221 : memref<128xi32, #tpu.memory_space<vmem>>) semaphore(%arg12 : memref<!tpu.dma_semaphore, #tpu.memory_space<semaphore_mem>>)
      } else {
      }
      %mul3A_183 = arith.constant 5 : i32
      %mul3A_184 = arith.muli %scan3A_51, %mul3A_183 : i32
      %add3A_185 = arith.constant 4 : i32
      %add3A_186 = arith.addi %mul3A_184, %add3A_185 : i32
      %mul3A_187 = arith.constant 128 : i32
      %mul3A_188 = arith.muli %add3A_186, %mul3A_187 : i32
      %add3A_189 = arith.addi %mul3A_2, %mul3A_188 : i32
      %mul3A_190 = arith.constant 128 : i32
      %mul3A_191 = arith.muli %add3A_186, %mul3A_190 : i32
      %dma_wait3A_192 = tpu.memref_slice %arg5[%mul3A_191] : memref<6400xi32, #tpu.memory_space<vmem>> -> memref<128xi32, #tpu.memory_space<vmem>>
      %dma_wait3A_193 = arith.constant 0 : i32
      %dma_wait3A_194 = arith.constant 0 : i32
      %dma_wait3A_195 = tpu.memref_slice %arg3[%dma_wait3A_193, %dma_wait3A_194] : memref<100000x128xf32, #tpu.memory_space<hbm>> -> memref<100000x128xf32, #tpu.memory_space<hbm>>
      tpu.wait_indirect_dma semaphore(%arg15 : memref<!tpu.dma_semaphore, #tpu.memory_space<semaphore_mem>>) src(%dma_wait3A_195 : memref<100000x128xf32, #tpu.memory_space<hbm>>) dst(%arg10 : memref<128x128xf32, #tpu.memory_space<vmem>>)
      %dma_start3A_196 = arith.constant 0 : i32
      %dma_start3A_197 = tpu.memref_slice %arg4[%add3A_189, %dma_start3A_196] : memref<204800x128xf32, #tpu.memory_space<hbm>> -> memref<128x128xf32, #tpu.memory_space<hbm>>
      %dma_start3A_198 = arith.constant 0 : i32
      %dma_start3A_199 = tpu.memref_slice %arg4[%add3A_189, %dma_start3A_198] : memref<204800x128xf32, #tpu.memory_space<hbm>> -> memref<128x128xf32, #tpu.memory_space<hbm>>
      tpu.enqueue_dma source(%arg10 : memref<128x128xf32, #tpu.memory_space<vmem>>) target(%dma_start3A_199 : memref<128x128xf32, #tpu.memory_space<hbm>>) target_semaphore(%arg20 : memref<!tpu.dma_semaphore, #tpu.memory_space<semaphore_mem>>)
      %add3A_200 = arith.constant 3 : i32
      %add3A_201 = arith.addi %add3A_186, %add3A_200 : i32
      %lt3A_202 = arith.constant 50 : i32
      %lt3A_203 = arith.cmpi slt, %add3A_201, %lt3A_202 : i32
      %ge3A_204 = arith.constant 2 : i32
      %ge3A_205 = arith.cmpi sge, %add3A_186, %ge3A_204 : i32
      %and3A_206 = arith.andi %lt3A_203, %ge3A_205 : i1
      %convert_element_type3A_207 = arith.extui %and3A_206 : i1 to i32
      %cond3A_208 = arith.constant 0 : i32
      %cond3A_209 = arith.cmpi ne, %convert_element_type3A_207, %cond3A_208 : i32
      scf.if %cond3A_209 {
        %dma_wait3A_217 = arith.constant 0 : i32
        %dma_wait3A_218 = tpu.memref_slice %arg4[%add3A_189, %dma_wait3A_217] : memref<204800x128xf32, #tpu.memory_space<hbm>> -> memref<128x128xf32, #tpu.memory_space<hbm>>
        %dma_wait3A_219 = arith.constant 0 : i32
        %dma_wait3A_220 = tpu.memref_slice %arg4[%add3A_189, %dma_wait3A_219] : memref<204800x128xf32, #tpu.memory_space<hbm>> -> memref<128x128xf32, #tpu.memory_space<hbm>>
        tpu.wait_dma2 semaphore(%arg18 : memref<!tpu.dma_semaphore, #tpu.memory_space<semaphore_mem>>) src(%arg8 : memref<128x128xf32, #tpu.memory_space<vmem>>) dst(%dma_wait3A_220 : memref<128x128xf32, #tpu.memory_space<hbm>>)
      } else {
      }
      %add3A_210 = arith.constant 3 : i32
      %add3A_211 = arith.addi %add3A_186, %add3A_210 : i32
      %lt3A_212 = arith.constant 50 : i32
      %lt3A_213 = arith.cmpi slt, %add3A_211, %lt3A_212 : i32
      %convert_element_type3A_214 = arith.extui %lt3A_213 : i1 to i32
      %cond3A_215 = arith.constant 0 : i32
      %cond3A_216 = arith.cmpi ne, %convert_element_type3A_214, %cond3A_215 : i32
      scf.if %cond3A_216 {
        %add3A_217 = arith.constant 3 : i32
        %add3A_218 = arith.addi %add3A_186, %add3A_217 : i32
        %mul3A_219 = arith.constant 128 : i32
        %mul3A_220 = arith.muli %add3A_218, %mul3A_219 : i32
        %dma_start3A_221 = tpu.memref_slice %arg5[%mul3A_220] : memref<6400xi32, #tpu.memory_space<vmem>> -> memref<128xi32, #tpu.memory_space<vmem>>
        %dma_start3A_222 = arith.constant 0 : i32
        %dma_start3A_223 = arith.constant 0 : i32
        %dma_start3A_224 = tpu.memref_slice %arg3[%dma_start3A_222, %dma_start3A_223] : memref<100000x128xf32, #tpu.memory_space<hbm>> -> memref<100000x128xf32, #tpu.memory_space<hbm>>
        tpu.enqueue_indirect_dma source(%dma_start3A_224 : memref<100000x128xf32, #tpu.memory_space<hbm>>) target(%arg8 : memref<128x128xf32, #tpu.memory_space<vmem>>) offsets(%dma_start3A_221 : memref<128xi32, #tpu.memory_space<vmem>>) semaphore(%arg13 : memref<!tpu.dma_semaphore, #tpu.memory_space<semaphore_mem>>)
      } else {
      }
    }
    %scan3A_21 = arith.constant 10 : i32
    %add3A_22 = arith.constant 5760 : i32
    %add3A_23 = arith.addi %mul3A_2, %add3A_22 : i32
    %dma_wait3A = arith.constant 0 : i32
    %dma_wait3A_24 = tpu.memref_slice %arg4[%add3A_23, %dma_wait3A] : memref<204800x128xf32, #tpu.memory_space<hbm>> -> memref<128x128xf32, #tpu.memory_space<hbm>>
    %dma_wait3A_25 = arith.constant 0 : i32
    %dma_wait3A_26 = tpu.memref_slice %arg4[%add3A_23, %dma_wait3A_25] : memref<204800x128xf32, #tpu.memory_space<hbm>> -> memref<128x128xf32, #tpu.memory_space<hbm>>
    tpu.wait_dma2 semaphore(%arg16 : memref<!tpu.dma_semaphore, #tpu.memory_space<semaphore_mem>>) src(%arg6 : memref<128x128xf32, #tpu.memory_space<vmem>>) dst(%dma_wait3A_26 : memref<128x128xf32, #tpu.memory_space<hbm>>)
    %add3A_27 = arith.constant 5888 : i32
    %add3A_28 = arith.addi %mul3A_2, %add3A_27 : i32
    %dma_wait3A_29 = arith.constant 0 : i32
    %dma_wait3A_30 = tpu.memref_slice %arg4[%add3A_28, %dma_wait3A_29] : memref<204800x128xf32, #tpu.memory_space<hbm>> -> memref<128x128xf32, #tpu.memory_space<hbm>>
    %dma_wait3A_31 = arith.constant 0 : i32
    %dma_wait3A_32 = tpu.memref_slice %arg4[%add3A_28, %dma_wait3A_31] : memref<204800x128xf32, #tpu.memory_space<hbm>> -> memref<128x128xf32, #tpu.memory_space<hbm>>
    tpu.wait_dma2 semaphore(%arg17 : memref<!tpu.dma_semaphore, #tpu.memory_space<semaphore_mem>>) src(%arg7 : memref<128x128xf32, #tpu.memory_space<vmem>>) dst(%dma_wait3A_32 : memref<128x128xf32, #tpu.memory_space<hbm>>)
    %add3A_33 = arith.constant 6016 : i32
    %add3A_34 = arith.addi %mul3A_2, %add3A_33 : i32
    %dma_wait3A_35 = arith.constant 0 : i32
    %dma_wait3A_36 = tpu.memref_slice %arg4[%add3A_34, %dma_wait3A_35] : memref<204800x128xf32, #tpu.memory_space<hbm>> -> memref<128x128xf32, #tpu.memory_space<hbm>>
    %dma_wait3A_37 = arith.constant 0 : i32
    %dma_wait3A_38 = tpu.memref_slice %arg4[%add3A_34, %dma_wait3A_37] : memref<204800x128xf32, #tpu.memory_space<hbm>> -> memref<128x128xf32, #tpu.memory_space<hbm>>
    tpu.wait_dma2 semaphore(%arg18 : memref<!tpu.dma_semaphore, #tpu.memory_space<semaphore_mem>>) src(%arg8 : memref<128x128xf32, #tpu.memory_space<vmem>>) dst(%dma_wait3A_38 : memref<128x128xf32, #tpu.memory_space<hbm>>)
    %add3A_39 = arith.constant 6144 : i32
    %add3A_40 = arith.addi %mul3A_2, %add3A_39 : i32
    %dma_wait3A_41 = arith.constant 0 : i32
    %dma_wait3A_42 = tpu.memref_slice %arg4[%add3A_40, %dma_wait3A_41] : memref<204800x128xf32, #tpu.memory_space<hbm>> -> memref<128x128xf32, #tpu.memory_space<hbm>>
    %dma_wait3A_43 = arith.constant 0 : i32
    %dma_wait3A_44 = tpu.memref_slice %arg4[%add3A_40, %dma_wait3A_43] : memref<204800x128xf32, #tpu.memory_space<hbm>> -> memref<128x128xf32, #tpu.memory_space<hbm>>
    tpu.wait_dma2 semaphore(%arg19 : memref<!tpu.dma_semaphore, #tpu.memory_space<semaphore_mem>>) src(%arg9 : memref<128x128xf32, #tpu.memory_space<vmem>>) dst(%dma_wait3A_44 : memref<128x128xf32, #tpu.memory_space<hbm>>)
    %add3A_45 = arith.constant 6272 : i32
    %add3A_46 = arith.addi %mul3A_2, %add3A_45 : i32
    %dma_wait3A_47 = arith.constant 0 : i32
    %dma_wait3A_48 = tpu.memref_slice %arg4[%add3A_46, %dma_wait3A_47] : memref<204800x128xf32, #tpu.memory_space<hbm>> -> memref<128x128xf32, #tpu.memory_space<hbm>>
    %dma_wait3A_49 = arith.constant 0 : i32
    %dma_wait3A_50 = tpu.memref_slice %arg4[%add3A_46, %dma_wait3A_49] : memref<204800x128xf32, #tpu.memory_space<hbm>> -> memref<128x128xf32, #tpu.memory_space<hbm>>
    tpu.wait_dma2 semaphore(%arg20 : memref<!tpu.dma_semaphore, #tpu.memory_space<semaphore_mem>>) src(%arg10 : memref<128x128xf32, #tpu.memory_space<vmem>>) dst(%dma_wait3A_50 : memref<128x128xf32, #tpu.memory_space<hbm>>)
    return
  }
}

</mosaic_0001>

<sc_bundles>
// kernel: kernel.3.cloned.1.call-start
scs
__scs_entry_jumppad:
0x0: {  	(pc) =	sbr.rel $0x88, $3  }
0x1: {  	(tag) =	ssettag $0x0;
	lr =	simm.s32 $0x1  }
0x2: {  	[smem:$0x3F9F] =	sst lr;
	_ =	strace $0xD0000000  }
0x3: {  	_ = 	snop  }
0x4: {  	_ = 	snop  }
0x5: {  	_ = 	snop  }
0x6: {  	_ = 	snop  }
0x7: {  	_ = 	snop  }
__scs_overlays_trampoline_lowered:
0x8: {  	[smem:$0x3FAE] =	sst s0  }
0x9: {  	[smem:$0x3FAF] =	sst s1  }
0xa: {  	[smem:$0x3FB0] =	sst s2  }
0xb: {  	[smem:$0x3FB1] =	sst s3  }
0xc: {  	[smem:$0x3FB2] =	sst s4  }
0xd: {  	[smem:$0x3FB3] =	sst s5  }
0xe: {  	[smem:$0x3FB4] =	sst s6  }
0xf: {  	[smem:$0x3FB5] =	sst s7  }
0x10: {  	[smem:$0x3FB6] =	sst s8  }
0x11: {  	[smem:$0x3FB7] =	sst s9;
	s0 =	simm.s32 @!p0 $0x0  }
0x12: {  	s1 =	sld [smem:$0x3F9D];
	s0 =	simm.s32 @p0 $0x1  }
0x13: {  	[smem:$0x3FB8] =	sst s0;
	s0 =	simm.s32 @!p1 $0x0  }
0x14: {  	s2 =	sld [smem:$0x3F9C];
	s0 =	simm.s32 @p1 $0x1  }
0x15: {  	[smem:$0x3FB9] =	sst s0;
	s0 =	simm.s32 @!p2 $0x0  }
0x16: {  	s3 =	sld [smem:$0x3FDB];
	s0 =	simm.s32 @p2 $0x1  }
0x17: {  	s4 =	simm.s32 $0x1BF5;
	[smem:$0x3FBB] =	sst s0  }
0x18: {  	s0 =	sld [smem:$0x3F9E];
	_ =	swait.ge [sflag:s4], $0x0  }
0x19: {  	s7 =	sld [smem:$0x3F9F]  }
0x1a: {  	s8 =	sadd.s32 $0xFFFFE003, lr  }
0x1b: {  	s9 =	sadd.s32 $0xFFFFFEF7, lr;
	s5 =	simm.s32 $0xFFFFFFFF;
	p2 =	slt.u32 s8, $0xFFFFF086  }
0x1c: {  	p1 =	slt.u32 s9, $0xF7A;
	s5 =	simm.s32 @!p2 $0x0  }
0x1d: {  	s5 =	simm.s32 @p1 $0x1;
	p0 =	seq.s32 s7, s2  }
0x1e: {  	s7 =	smul.u32 @!p0 $0xF7A, s2;
	p2 =	seq.s32 @!p0 s5, $0x0  }
0x1f: {  	s9 =	smul.u32 $0xF7A, s1;
	s8 =	simm.s32 @!p0 $0x1BF5;
	p2 =	por !p2, p0  }
0x20: {  	[sflag:s8] =	ssyncset.s32 @!p0 $0xFFFFF086;
	s6 =	sadd.s32 @!p0 s3, s7;
	s7 =	simm.s32 @!p0 $0x108  }
0x21: {  	s3 =	sadd.s32 s3, s9;
	s6 =	sadd.s32 @!p0 $0x88, s6;
	s7 =	simm.s32 @p2 $0x1082  }
0x22: {  	[simem:s7], [sflag:s8] =	dma.local @!p0 [hbm:s6], $0xF7A  }
0x23: {  	s9 =	sor.u32 $0xD0000000, s2;
	s6 =	simm.s32 $0x108;
	_ =	swait.ge @!p0 [sflag:s8], $0x0  }
0x24: {  	s3 =	sadd.s32 $0x88, s3;
	s6 =	simm.s32 @!p1 $0x1082;
	[sflag:s4] =	ssyncset.s32 $0xFFFFF086  }
0x25: {  	[simem:s6], [sflag:s4] =	dma.local [hbm:s3], $0xF7A  }
0x26: {  	[smem:$0x3F9F] =	sst s1;
	(tag) =	ssettag s2;
	_ =	strace s9  }
0x27: {  	s1 =	sld [smem:$0x3FAF]  }
0x28: {  	s2 =	sld [smem:$0x3FB0]  }
0x29: {  	s4 =	sld [smem:$0x3FB2]  }
0x2a: {  	p0 =	seq.s32 s5, $0x0;
	s5 =	sld [smem:$0x3FB3]  }
0x2b: {  	s6 =	sld [smem:$0x3FB4]  }
0x2c: {  	s7 =	sld [smem:$0x3FB5]  }
0x2d: {  	s3 =	simm.s32 $0x108;
	s8 =	sld [smem:$0x3FB6]  }
0x2e: {  	s3 =	simm.s32 @!p0 $0x1082;
	s9 =	sld [smem:$0x3FB7]  }
0x2f: {  	lr =	sadd.s32 s0, s3;
	s0 =	sld [smem:$0x3FAE]  }
0x30: {  	s3 =	sld [smem:$0x3FB1]  }
0x31: {  	[smem:$0x3FBA] =	sst s10  }
0x32: {  	s10 =	sld [smem:$0x3FB8];
	_ =	sdelay $0x3  }
0x33: {  	p0 =	seq.s32 s10, $0x1;
	s10 =	sld [smem:$0x3FBA];
	_ =	sdelay $0x3  }
0x34: {  	[smem:$0x3FBA] =	sst s10  }
0x35: {  	s10 =	sld [smem:$0x3FB9];
	_ =	sdelay $0x3  }
0x36: {  	p1 =	seq.s32 s10, $0x1;
	s10 =	sld [smem:$0x3FBA];
	_ =	sdelay $0x3  }
0x37: {  	[smem:$0x3FBA] =	sst s10  }
0x38: {  	s10 =	sld [smem:$0x3FBB]  }
0x39: {  	_ = 	snop;
	(pc) =	sbr.ind lr, $3  }
0x3a: {  	_ = 	snop  }
0x3b: {  	_ = 	snop  }
0x3c: {  	p2 =	seq.s32 s10, $0x1;
	s10 =	sld [smem:$0x3FBA]  }
0x3d: {  	_ =	shalt  }
0x3e: {  	_ =	shalt  }
0x3f: {  	_ =	shalt  }
0x40: {  	_ =	shalt  }
0x41: {  	_ =	shalt  }
0x42: {  	_ =	shalt  }
0x43: {  	_ =	shalt  }
0x44: {  	_ =	shalt  }
0x45: {  	_ =	shalt  }
0x46: {  	_ =	shalt  }
0x47: {  	_ =	shalt  }
0x48: {  	_ =	shalt  }
0x49: {  	_ =	shalt  }
0x4a: {  	_ =	shalt  }
0x4b: {  	_ =	shalt  }
0x4c: {  	_ =	shalt  }
0x4d: {  	_ =	shalt  }
0x4e: {  	_ =	shalt  }
0x4f: {  	_ =	shalt  }
0x50: {  	_ =	shalt  }
0x51: {  	_ =	shalt  }
0x52: {  	_ =	shalt  }
0x53: {  	_ =	shalt  }
0x54: {  	_ =	shalt  }
0x55: {  	_ =	shalt  }
0x56: {  	_ =	shalt  }
0x57: {  	_ =	shalt  }
0x58: {  	_ =	shalt  }
0x59: {  	_ =	shalt  }
0x5a: {  	_ =	shalt  }
0x5b: {  	_ =	shalt  }
0x5c: {  	_ =	shalt  }
0x5d: {  	_ =	shalt  }
0x5e: {  	_ =	shalt  }
0x5f: {  	_ =	shalt  }
0x60: {  	_ =	shalt  }
0x61: {  	_ =	shalt  }
0x62: {  	_ =	shalt  }
0x63: {  	_ =	shalt  }
0x64: {  	_ =	shalt  }
0x65: {  	_ =	shalt  }
0x66: {  	_ =	shalt  }
0x67: {  	_ =	shalt  }
0x68: {  	_ =	shalt  }
0x69: {  	_ =	shalt  }
0x6a: {  	_ =	shalt  }
0x6b: {  	_ =	shalt  }
0x6c: {  	_ =	shalt  }
0x6d: {  	_ =	shalt  }
0x6e: {  	_ =	shalt  }
0x6f: {  	_ =	shalt  }
0x70: {  	_ =	shalt  }
0x71: {  	_ =	shalt  }
0x72: {  	_ =	shalt  }
0x73: {  	_ =	shalt  }
0x74: {  	_ =	shalt  }
0x75: {  	_ =	shalt  }
0x76: {  	_ =	shalt  }
0x77: {  	_ =	shalt  }
0x78: {  	_ =	shalt  }
0x79: {  	_ =	shalt  }
0x7a: {  	_ =	shalt  }
0x7b: {  	_ =	shalt  }
0x7c: {  	_ =	shalt  }
0x7d: {  	_ =	shalt  }
0x7e: {  	_ =	shalt  }
0x7f: {  	_ =	shalt  }
0x80: {  	_ =	shalt  }
0x81: {  	_ =	shalt  }
0x82: {  	_ =	shalt  }
0x83: {  	_ =	shalt  }
0x84: {  	_ =	shalt  }
0x85: {  	_ =	shalt  }
0x86: {  	_ =	shalt  }
0x87: {  	_ =	shalt  }
.Lfunc_end0:
.L_simem_size_0:
called_computation_lowered:
.L_overlay_start_0:
0x88: {  	s2 =	sld [smem:$0x3FD9]  }
0x89: {  	s3 =	sld [smem:$0x3FFE];
	_ =	sdelay $0x1  }
0x8a: {  	s1 =	srdreg.scid  }
0x8b: {  	s0 =	sand.u32 $0x1, s1  }
0x8c: {  	s17 =	sshll.u32 s0, $0xA;
	s2 =	sadd.s32 s3, s2  }
0x8d: {  	s2 =	sadd.s32 s2, s17  }
0x8e: {  	[smem:$0x3FC6] =	sst s2  }
0x8f: {  	_ = 	snop  }
0x90: {  	s2 =	sld [smem:$0x3FC8]  }
0x91: {  	s18 =	sld [smem:$0x3FD0];
	(tm) =	ssettm $0x1  }
0x92: {  	s4 =	sld [smem:$0x3FFB];
	_ =	sdelay $0x3  }
0x93: {  	_ =	strace s4  }
0x94: {  	s4 =	sld [smem:$0x3FFC];
	_ =	sdelay $0x3  }
0x95: {  	_ =	strace s4  }
0x96: {  	s4 =	sld [smem:$0x3FFD];
	_ =	sdelay $0x3  }
0x97: {  	_ =	strace s4  }
0x98: {  	_ =	strace $0x8FFFFFFF  }
0x99: {  	s19 =	sld [smem:$0x3FDB];
	_ =	sdelay $0x1  }
0x9a: {  	s5 =	simm.s32 $_scs_section_size  }
0x9b: {  	s6 =	simm.s32 $_size__tile_overlayer_lowered;
	s7 =	simm.s32 $_tile_overlayer_lowered  }
0x9c: {  	s22 =	simm.s32 $0x1BFF;
	s21 =	sshll.u32 s7, $0x1;
	s4 =	sadd.s32 s5, s19  }
0x9d: {  	s8 =	simm.s32 $0x0;
	s20 =	sshll.u32 s6, $0x1;
	s6 =	sadd.s32 s21, s4  }
0x9e: {  	[timem:s8], [sflag:s22] =	dma.local [hbm:s6], s20  }
0x9f: {  	_ =	swait.ge [sflag:s22], s20  }
0xa0: {  	s5 =	ssub.s32 $0x0, s20;
	[sflag:s22] =	ssyncset.done $0x0  }
0xa1: {  	[sflag:s22] =	ssyncadd.s32 s5;
	_ =	sdelay $0x1  }
0xa2: {  	s23 =	simm.s32 $0x1B8B  }
0xa3: {  	_ =	swait.ge [sflag:s23], $0x1  }
0xa4: {  	[sflag:s23] =	ssyncset.done $0x0  }
0xa5: {  	s25 =	simm.s32 $0x1B8E;
	s24 =	sld [smem:$0x3FFE];
	[sflag:s23] =	ssyncadd.s32 $0xFFFFFFFF  }
0xa6: {  	s26 =	simm.s32 $execute0_lowered;
	[smem:$0x3FD2] =	sst s25  }
0xa7: {  	s6 =	sshll.u32 s26, $0x1;
	_ =	strace $0x80000046;
	[dreg:$0x1] =	wrdreg $0xFFFFFFFF  }
0xa8: {  	s28 =	simm.s32 $_size_execute0_lowered;
	s4 =	sadd.s32 s4, s6;
	[dreg:$0x0] =	wrdreg $0x0  }
0xa9: {  	s6 =	sshll.u32 s28, $0x1;
	[dreg:$0x2] =	wrdreg s4  }
0xaa: {  	[dreg:$0x3] =	wrdreg s6  }
0xab: {  	[dreg:$0x4] =	wrdreg $0xC0  }
0xac: {  	_ =	task [dreg:s8], $0x5FFFF  }
0xad: {  	[dreg:$0x1] =	wrdreg $0xFFFFFFFF  }
0xae: {  	[dreg:$0x0] =	wrdreg $0x60  }
0xaf: {  	[dreg:$0x2] =	wrdreg s24  }
0xb0: {  	[dreg:$0x3] =	wrdreg s2  }
0xb1: {  	[dreg:$0x4] =	wrdreg s18  }
0xb2: {  	[dreg:$0x5] =	wrdreg $0x9  }
0xb3: {  	_ =	task.clear_ibuf [dreg:s8], $0x6FFFF;
	_ =	strace $0x90000046  }
0xb4: {  	s29 =	simm.s32 $0x9;
	_ =	strace $0x80000048  }
0xb5: {  	_ =	swait.ge [sflag:s29], $0x1  }
0xb6: {  	[sflag:s29] =	ssyncadd.s32 $0xFFFFFFFF  }
0xb7: {  	_ =	strace $0x90000048  }
0xb8: {  	_ =	sfence  }
0xb9: {  	s30 =	sld [smem:$0x0];
	_ =	sdelay $0x2  }
0xba: {  	s31 =	sshll.u32 s1, $0xD;
	s1 =	sshrl.u32 s1, $0x2  }
0xbb: {  	s3 =	sand.u32 $0x4000, s31;
	s1 =	sadd.s32 s1, s30  }
0xbc: {  	s0 =	sor.u32 s3, s0;
	s1 =	sshll.u32 s1, $0x11  }
0xbd: {  	s0 =	sor.u32 s1, s0  }
0xbe: {  	s0 =	sadd.s32 $0x8F2B, s0  }
0xbf: {  	[sflag:s0] =	ssyncadd.remote.s32 $0x1  }
0xc0: {  	_ =	sfence.sel $0xFFFF  }
0xc1: {  	[dreg:$0x0] =	wrdreg $0xFFFFFFFF;
	(pc) =	sbr.abs _section_cstart, $3  }
0xc2: {  	[dreg:$0x1] =	wrdreg $0xFFFFFFFF  }
0xc3: {  	_ =	task.clear_ibuf [dreg:s8], $0x2FFFF;
	_ =	strace $0x9FFFFFFF  }
0xc4: {  	(tm) =	ssettm $0x7FFFFFFF  }
0xc5: {  	_ =	shalt  }
tec
execute0_lowered:
.L_overlay_start_1:
0x0: {  	(tag) =	ssettag $0x1  }
0x1: {  	s0 =	rddreg [dreg:$0x0];
	s1 =	srdreg.scid  }
0x2: {  	s9 =	stileid.u32;
	s2 =	rddreg [dreg:$0x1]  }
0x3: {  	s4 =	rddreg [dreg:$0x2];
	s11 =	simm.s32 $0xB;
	s12 =	simm.s32 $0x80  }
0x4: {  	s13 =	simm.s32 $0x1900;
	s14 =	simm.s32 $0x5900;
	s16 =	simm.s32 $0x9900  }
0x5: {  	s28 =	simm.s32 $0x9;
	s29 =	simm.s32 $0xA;
	s6 =	smul.u32 $0x190000, s9  }
0x6: {  	s1 =	sand.u32 $0x1, s1;
	s3 =	sshll.u32 s9, $0x1;
	s18 =	smul.u32 $0x32000, s9  }
0x7: {  	s30 =	simm.s32 $0x0;
	s5 =	sor.u32 s1, s3;
	s8 =	smul.u32 $0xC8000, s1  }
0x8: {  	s3 =	simm.s32 $0x0;
	s7 =	ssub.s32 $0x2, s1;
	s19 =	smul.u32 $0x19000, s1  }
0x9: {  	s5 =	smul.u32 $0x1900, s5;
	[smem:$0x7FF] =	sst s3;
	s17 =	sshrl.u32 s7, $0x1  }
0xa: {  	s21 =	sadd.s32 s18, s4;
	s18 =	simm.s32 $0xD900;
	s6 =	sadd.s32 s8, s6  }
0xb: {  	_ =	strace $0x80000047;
	s5 =	sshrl.u32 s5, $0x3;
	s20 =	sadd.s32 $0x10000, s6  }
0xc: {  	s23 =	sadd.s32 $0xC000, s6;
	s24 =	sadd.s32 $0x8000, s6;
	s25 =	sor.u32 $0x4000, s6  }
0xd: {  	s0 =	sadd.s32 s5, s0;
	s5 =	ssub.s32 s7, s17;
	s1 =	sshrl.u32 s20, $0x3  }
0xe: {  	s17 =	simm.s32 $0x1;
	s20 =	simm.s32 $0x11900;
	s0 =	sadd.s32 $0x400, s0  }
0xf: {  	s5 =	smax.u32 s5, $0x1;
	s22 =	sadd.s32 s1, s4;
	[dreg:$0x4] =	wrdreg s0  }
0x10: {  	s1 =	sshrl.u32 s24, $0x3;
	s24 =	simm.s32 $0x6;
	[dreg:$0x5] =	wrdreg s5  }
0x11: {  	s0 =	sadd.s32 s19, s21;
	[dreg:$0x7] =	wrdreg s22;
	s5 =	sshrl.u32 s25, $0x3  }
.Ltmp0:
0x12: {  	s26 =	sadd.s32 s1, s4;
	s19 =	simm.s32 $0x2;
	(pc) =	sbr.rel .LBB2_1-.Ltmp0, $4  }
0x13: {  	s21 =	simm.s32 $0x3;
	s22 =	simm.s32 $0x4;
	[dreg:$0x6] =	wrdreg s0  }
0x14: {  	s0 =	sshrl.u32 s23, $0x3;
	[dreg:$0x9] =	wrdreg s26;
	s31 =	sadd.s32 s5, s4  }
0x15: {  	s25 =	simm.s32 $0x7;
	s0 =	sadd.s32 s0, s4;
	[dreg:$0xa] =	wrdreg s31  }
0x16: {  	s23 =	simm.s32 $0x5;
	s26 =	simm.s32 $0x8;
	[dreg:$0x8] =	wrdreg s0  }
.LBB2_4:
0x17: {  	_ =	swait.ge [sflag:s24], $0x4000  }
0x18: {  	[sflag:s24] =	ssyncset.done $0x0  }
0x19: {  	[sflag:s24] =	ssyncadd.s32 $0xFFFFC000  }
0x1a: {  	_ =	swait.ge [sflag:s25], $0x4000  }
0x1b: {  	[sflag:s25] =	ssyncset.done $0x0  }
0x1c: {  	[sflag:s25] =	ssyncadd.s32 $0xFFFFC000  }
0x1d: {  	_ =	swait.ge [sflag:s26], $0x4000  }
0x1e: {  	[sflag:s26] =	ssyncset.done $0x0  }
0x1f: {  	[sflag:s26] =	ssyncadd.s32 $0xFFFFC000  }
0x20: {  	_ =	swait.ge [sflag:s28], $0x4000  }
0x21: {  	[sflag:s28] =	ssyncset.done $0x0  }
0x22: {  	[sflag:s28] =	ssyncadd.s32 $0xFFFFC000  }
0x23: {  	_ =	swait.ge [sflag:s29], $0x4000  }
0x24: {  	s30 =	sadd.s32 $0x1, s30;
	s0 =	rddreg [dreg:$0x5]  }
0x25: {  	p0 =	sne.s32 s30, s0  }
.Ltmp1:
0x26: {  	_ = 	snop;
	(pc) =	sbr.rel @!p0 .LBB2_5-.Ltmp1, $3  }
0x27: {  	_ =	sdelay $0x1  }
0x28: {  	[sflag:s29] =	ssyncset.done $0x0  }
0x29: {  	[sflag:s29] =	ssyncadd.s32 $0xFFFFC000  }
.LBB2_1:
0x2a: {  	s0 =	rddreg [dreg:$0x4]  }
0x2b: {  	[tilespmem:s3], [sflag:$0xB] =	stream.linear.gather [hbm4b:s0+s3], $0x1900, $0x38;
	[tilespmem:$0x15900] =	vst v63  }
0x2c: {  	_ =	swait.ge [sflag:s11], $0x1900  }
0x2d: {  	s31 =	rddreg [dreg:$0xa]  }
0x2e: {  	[sflag:s11] =	ssyncset.done $0x0;
	s9 =	rddreg [dreg:$0x9]  }
0x2f: {  	s8 =	rddreg [dreg:$0x8];
	[sflag:s11] =	ssyncadd.s32 $0xFFFFE700  }
0x30: {  	[tilespmem:s13], [sflag:$0x1] =	stream.indirect.gather [hbm4b:s2+s12], $0x80, s3, s12, $0xb8;
	[tilespmem:$0x15900] =	vst v63  }
0x31: {  	s7 =	rddreg [dreg:$0x7]  }
0x32: {  	[tilespmem:s14], [sflag:$0x2] =	stream.indirect.gather [hbm4b:s2+s12], $0x80, s12, s12, $0xb8;
	[tilespmem:$0x15900] =	vst v63  }
0x33: {  	s15 =	simm.s32 $0x100;
	s5 =	simm.s32 $0x0;
	s6 =	rddreg [dreg:$0x6]  }
0x34: {  	[tilespmem:s16], [sflag:$0x3] =	stream.indirect.gather [hbm4b:s2+s12], $0x80, s15, s12, $0xb8;
	[tilespmem:$0x15900] =	vst v63  }
.LBB2_2:
0x35: {  	_ =	swait.ge [sflag:s17], $0x4000  }
0x36: {  	p0 =	seq.s32 s5, $0x0;
	[sflag:s17] =	ssyncset.done $0x0  }
0x37: {  	s15 =	simm.s32 @!p0 $0x9;
	[sflag:s17] =	ssyncadd.s32 $0xFFFFC000  }
0x38: {  	[hbm4b:s6+s3] =	stream.linear.scatter [tilespmem:s13], [sflag:$0x6], $0x4000, $0x38;
	[tilespmem:$0x15900] =	vst v63  }
0x39: {  	_ =	swait.ge @!p0 [sflag:s15], $0x4000  }
0x3a: {  	s4 =	sshra.s32 s5, $0x2;
	[sflag:s15] =	ssyncset.done @!p0 $0x0  }
0x3b: {  	s1 =	sadd.s32 $0x180, s4;
	[sflag:s15] =	ssyncadd.s32 @!p0 $0xFFFFC000  }
0x3c: {  	[tilespmem:s18], [sflag:$0x4] =	stream.indirect.gather [hbm4b:s2+s12], $0x80, s1, s12, $0xb8;
	[tilespmem:$0x15900] =	vst v63  }
0x3d: {  	_ =	swait.ge [sflag:s19], $0x4000  }
0x3e: {  	[sflag:s19] =	ssyncset.done $0x0  }
0x3f: {  	s15 =	simm.s32 @!p0 $0xA;
	[sflag:s19] =	ssyncadd.s32 $0xFFFFC000  }
0x40: {  	[hbm4b:s31+s3] =	stream.linear.scatter [tilespmem:s14], [sflag:$0x7], $0x4000, $0x38;
	[tilespmem:$0x15900] =	vst v63  }
0x41: {  	_ =	swait.ge @!p0 [sflag:s15], $0x4000  }
0x42: {  	[sflag:s15] =	ssyncset.done @!p0 $0x0  }
0x43: {  	s10 =	sadd.s32 $0x200, s4;
	[sflag:s15] =	ssyncadd.s32 @!p0 $0xFFFFC000  }
0x44: {  	[tilespmem:s20], [sflag:$0x5] =	stream.indirect.gather [hbm4b:s2+s12], $0x80, s10, s12, $0xb8;
	[tilespmem:$0x15900] =	vst v63  }
0x45: {  	_ =	swait.ge [sflag:s21], $0x4000  }
0x46: {  	p0 =	seq.s32 s5, $0x5A00;
	[sflag:s21] =	ssyncset.done $0x0  }
0x47: {  	s15 =	simm.s32 @!p0 $0x6;
	[sflag:s21] =	ssyncadd.s32 $0xFFFFC000  }
0x48: {  	[hbm4b:s9+s3] =	stream.linear.scatter [tilespmem:s16], [sflag:$0x8], $0x4000, $0x38;
	[tilespmem:$0x15900] =	vst v63  }
0x49: {  	_ =	swait.ge @!p0 [sflag:s15], $0x4000  }
0x4a: {  	[sflag:s15] =	ssyncset.done @!p0 $0x0  }
0x4b: {  	[sflag:s15] =	ssyncadd.s32 @!p0 $0xFFFFC000;
	s15 =	sshra.s32 @!p0 s5, $0x2  }
0x4c: {  	s1 =	simm.s32 @!p0 $0x80;
	s10 =	simm.s32 @!p0 $0x1900;
	s0 =	sadd.s32 @!p0 $0x280, s15  }
0x4d: {  	[tilespmem:s10], [sflag:$0x1] =	stream.indirect.gather @!p0 [hbm4b:s2+s1], $0x80, s0, s1, $0xb8;
	[tilespmem:$0x15900] =	vst v63  }
0x4e: {  	_ =	swait.ge [sflag:s22], $0x4000  }
0x4f: {  	[sflag:s22] =	ssyncset.done $0x0  }
0x50: {  	s0 =	simm.s32 @!p0 $0x7;
	[sflag:s22] =	ssyncadd.s32 $0xFFFFC000  }
0x51: {  	[hbm4b:s8+s3] =	stream.linear.scatter [tilespmem:s18], [sflag:$0x9], $0x4000, $0x38;
	[tilespmem:$0x15900] =	vst v63  }
0x52: {  	_ =	swait.ge @!p0 [sflag:s0], $0x4000  }
0x53: {  	[sflag:s0] =	ssyncset.done @!p0 $0x0  }
0x54: {  	s10 =	simm.s32 @!p0 $0x5900;
	[sflag:s0] =	ssyncadd.s32 @!p0 $0xFFFFC000;
	s0 =	sadd.s32 @!p0 $0x300, s15  }
0x55: {  	[tilespmem:s10], [sflag:$0x2] =	stream.indirect.gather @!p0 [hbm4b:s2+s1], $0x80, s0, s1, $0xb8;
	[tilespmem:$0x15900] =	vst v63  }
.Ltmp2:
0x56: {  	_ = 	snop;
	(pc) =	sbr.rel @p0 .LBB2_4-.Ltmp2, $4  }
0x57: {  	_ =	swait.ge [sflag:s23], $0x4000  }
0x58: {  	[sflag:s23] =	ssyncset.done $0x0  }
0x59: {  	[sflag:s23] =	ssyncadd.s32 $0xFFFFC000  }
0x5a: {  	[hbm4b:s7+s3] =	stream.linear.scatter [tilespmem:s20], [sflag:$0xA], $0x4000, $0x38;
	[tilespmem:$0x15900] =	vst v63  }
.Ltmp3:
0x5b: {  	_ =	swait.ge [sflag:s26], $0x4000;
	(pc) =	sbr.rel .LBB2_2-.Ltmp3, $4  }
0x5c: {  	s0 =	sadd.s32 $0x380, s4;
	s5 =	sadd.s32 $0xA00, s5;
	s6 =	sadd.s32 $0x2800, s6  }
0x5d: {  	s7 =	sadd.s32 $0x2800, s7;
	s8 =	sadd.s32 $0x2800, s8;
	[sflag:s26] =	ssyncset.done $0x0  }
0x5e: {  	s9 =	sadd.s32 $0x2800, s9;
	s31 =	sadd.s32 $0x2800, s31;
	[sflag:s26] =	ssyncadd.s32 $0xFFFFC000  }
0x5f: {  	[tilespmem:s16], [sflag:$0x3] =	stream.indirect.gather [hbm4b:s2+s12], $0x80, s0, s12, $0xb8;
	[tilespmem:$0x15900] =	vst v63  }
.LBB2_5:
0x60: {  	_ =	sfence.sel $0x180000  }
0x61: {  	[bflag:$0x0] =	sbarrier.arrive $0xFFFF  }
0x62: {  	_ =	strace $0x90000047  }
0x63: {  	s0 =	stileid.u32;
	[bflag:$0x2] =	sbarrier.arrive $0xFFFF  }
0x64: {  	p0 =	sne.s32 s0, $0x0;
	s0 =	rddreg [dreg:$0x3]  }
0x65: {  	s0 =	sadd.s32 @!p0 $0x100000, s0  }
0x66: {  	[sflag:s0] =	ssyncadd.tile.s32 @!p0 $0x1;
	_ =	shalt  }
.Lfunc_end2:
_tile_overlayer_lowered:
.L_overlay_start_2:
0x67: {  	(tag) =	ssettag $0x2  }
0x68: {  	s0 =	rddreg [dreg:$0x0];
	s2 =	stileid.u32  }
0x69: {  	s1 =	rddreg [dreg:$0x1];
	p0 =	sne.s32 s2, $0x0  }
0x6a: {  	s3 =	rddreg [dreg:$0x2];
	[bflag:$0x3] =	sbarrier.arrive $0xFFFF;
	s2 =	simm.s32 @!p0 $0x1C0B  }
0x6b: {  	[timem:s3], [sflag:s2] =	dma.local @!p0 [hbm:s0], s1  }
0x6c: {  	s0 =	simm.s32 @!p0 $0xB  }
0x6d: {  	_ =	swait.ge @!p0 [sflag:s0], s1  }
0x6e: {  	s1 =	ssub.s32 @!p0 $0x0, s1;
	[sflag:s0] =	ssyncset.done @!p0 $0x0  }
0x6f: {  	[sflag:s0] =	ssyncadd.s32 @!p0 s1  }
0x70: {  	[bflag:$0x3] =	sbarrier.arrive $0xFFFF  }
0x71: {  	_ =	shalt  }

</sc_bundles>
